<compile_context>
chip_gen: v7x
topology: tpu7x:2x2x1
jax: 0.10.2.dev20260603
libtpu: 0.0.44.dev20260713+nightly
codegen_flags: <defaults>
</compile_context>

<pallas_src>
import jax
import jax.numpy as jnp
from jax import lax
from jax.experimental import pallas as pl
from jax.experimental.pallas import tpu as pltpu
from jax.experimental.pallas import tpu_sc as plsc

_C = 80
_ROW = 255


def _sc_gather(out5, idx_all):
    mesh = plsc.ScalarSubcoreMesh(axis_name="c", num_cores=2)

    def body(out_hbm, idx_hbm, rows_out, idx_s, sem):
        cid = lax.axis_index("c")

        @pl.when(cid == 0)
        def _():
            pltpu.sync_copy(idx_hbm, idx_s)
            bi = idx_s[512]

            def issue(i, _):
                l = idx_s[i]
                gj = idx_s[64 + i]
                gi = idx_s[128 + i]
                pltpu.async_copy(out_hbm.at[l, bi, gj, gi], rows_out.at[i], sem)
                ln = idx_s[256 + i]
                gjn = idx_s[320 + i]
                gin = idx_s[384 + i]
                pltpu.async_copy(out_hbm.at[ln, bi, gjn, gin],
                                 rows_out.at[64 + i], sem)
                return 0

            lax.fori_loop(0, 64, issue, 0)

            def drain(i, _):
                pltpu.make_async_copy(
                    out_hbm.at[0, 0, 0, 0], rows_out.at[0], sem).wait()
                return 0

            lax.fori_loop(0, 128, drain, 0)

    return pl.kernel(
        body,
        out_type=jax.ShapeDtypeStruct((128, _ROW), jnp.float32),
        mesh=mesh,
        scratch_types=[
            pltpu.SMEM((528,), jnp.int32),
            pltpu.SemaphoreType.DMA,
        ],
        compiler_params=pltpu.CompilerParams(use_tc_tiling_on_sc=True),
    )(out5, idx_all)


def _clamp_log(x):
    xs = jnp.where(x > 0, x, 1.0)
    return jnp.where(x > 0, jnp.maximum(jnp.log(xs), -100.0), -100.0)


def _tc_loss_body(rows_ref, a_ref, bb_ref, o_ref):
    rows = rows_ref[...]
    a = a_ref[...]
    sel = jnp.where(
        a == 0, rows[:, 0:85],
        jnp.where(a == 1, rows[:, 85:170], rows[:, 170:255]))
    box = sel[0:64, 0:4]
    obj = sel[0:64, 4:5]
    pneg = sel[64:128, 4:5]
    box_loss = 5.0 * jnp.sum((box - bb_ref[...]) ** 2)
    obj_loss = jnp.sum(-_clamp_log(obj))
    neg_loss = 0.5 * jnp.sum(-_clamp_log(1.0 - pneg))
    cls_loss = jnp.float32(64 * 100.0 * (_C - 1) / _C)
    o_ref[...] = (box_loss + obj_loss + neg_loss + cls_loss).reshape(1, 1)


def kernel(out, positive_pred, negative_pred, _cls_gt, bboxes_gt, batch_idx):
    del _cls_gt
    pp = positive_pred.reshape(64, 4)
    idx_all = jnp.concatenate([
        pp.T.reshape(-1),
        negative_pred.T.reshape(-1),
        jnp.full((16,), batch_idx, jnp.int32),
    ])
    rows = _sc_gather(out, idx_all)
    avec = jnp.concatenate([pp[:, 3], negative_pred[:, 3]]).reshape(128, 1)
    bb = jnp.repeat(bboxes_gt, 2, axis=0)
    loss = pl.pallas_call(
        _tc_loss_body,
        out_shape=jax.ShapeDtypeStruct((1, 1), jnp.float32),
    )(rows, avec, bb)
    return loss[0, 0]

# --- scband reference (transcript-rebuilt; emitter-appended) ---
"""Pipeline reference for scband-yolo-loss-35777077576555 (READ-ONLY COPY).

The authoritative reference and input builder live on the scoring server;
editing this copy changes nothing except your own understanding.
"""

import jax, jax.numpy as jnp
import numpy as np

NUM_CLASS = 80


def _clamp_log(x):
    xs = jnp.where(x > 0, x, 1.0)
    return jnp.where(x > 0, jnp.maximum(jnp.log(xs), -100.0), -100.0)


def _bce(p, t):
    p = jnp.asarray(p, jnp.float32)
    t = jnp.asarray(t, jnp.float32)
    return jnp.mean(-(t * _clamp_log(p) + (1.0 - t) * _clamp_log(1.0 - p)))


def _mse(a, b):
    a = jnp.asarray(a, jnp.float32)
    b = jnp.asarray(b, jnp.float32)
    return jnp.mean((a - b) ** 2)


def _softmax1(x):
    m = jnp.max(x, axis=1, keepdims=True)
    e = jnp.exp(x - m)
    return e / jnp.sum(e, axis=1, keepdims=True)


def setup_inputs(seed: int = 0) -> dict:
    key = jax.random.key(seed)
    ks = jax.random.split(key, 5)
    out = jax.random.uniform(ks[0], (3, 16, 52, 52, 255), dtype=jnp.float32)
    positive_pred = jax.random.randint(ks[1], (32, 2, 4), 0, 3, dtype=jnp.int32)
    negative_pred = jax.random.randint(ks[2], (64, 4), 0, 3, dtype=jnp.int32)
    _cls_gt = jax.random.randint(ks[3], (32,), 0, NUM_CLASS, dtype=jnp.int32)
    bboxes_gt = jax.random.uniform(ks[4], (32, 4), dtype=jnp.float32)
    batch_idx = 1
    return {"out": out, "positive_pred": positive_pred, "negative_pred": negative_pred,
            "_cls_gt": _cls_gt, "bboxes_gt": bboxes_gt, "batch_idx": batch_idx}


def reference(out, positive_pred, negative_pred, _cls_gt, bboxes_gt, batch_idx):
    C = NUM_CLASS
    bi = jnp.asarray(batch_idx)
    loss = jnp.float32(0.0)
    # negative (no-object) confidence loss: scalar gathers from large pred tensor
    N_neg = negative_pred.shape[0]

    def neg_body(i, acc):
        l = negative_pred[i, 0]
        gj = negative_pred[i, 1]
        gi = negative_pred[i, 2]
        a = negative_pred[i, 3]
        p = out[l, bi, gj, gi, a * (C + 5) + 4]
        return acc + 0.5 * _bce(p, 0.0)

    loss = jax.lax.fori_loop(0, N_neg, neg_body, loss)
    K = _cls_gt.shape[0]
    cls_gt = jnp.zeros((K, C), jnp.float32).at[jnp.arange(K), _cls_gt].set(1.0)
    M = positive_pred.shape[1]

    def pos_body(k, acc):
        for i in range(M):
            l = positive_pred[k, i, 0]
            gj = positive_pred[k, i, 1]
            gi = positive_pred[k, i, 2]
            a = positive_pred[k, i, 3]
            base = a * (C + 5)
            row = out[l, bi, gj, gi]
            acc = acc + _bce(row[base + 4], 1.0)
            sl = jax.lax.dynamic_slice(row, (base + 5,), (C,)).reshape(-1, 1)
            acc = acc + _bce(_softmax1(sl), cls_gt[k].reshape(-1, 1))
            acc = acc + 5.0 * (
                _mse(row[base + 0], bboxes_gt[k, 0])
                + _mse(row[base + 1], bboxes_gt[k, 1])
                + _mse(row[base + 2], bboxes_gt[k, 2])
                + _mse(row[base + 3], bboxes_gt[k, 3])
            )
        return acc

    if M > 0:
        loss = jax.lax.fori_loop(0, positive_pred.shape[0], pos_body, loss)
    return loss

if __name__ == "__main__":
    import jax
    _d = setup_inputs()
    print(jax.jit(kernel)(*tuple(_d.values())))

</pallas_src>

<mosaic_0001>
#map = affine_map<(d0) -> (0, 0, 0, 0, 0)>
#map1 = affine_map<(d0) -> (0)>
#map2 = affine_map<(d0) -> (0, 0)>
module attributes {stable_mosaic.version = 14 : i64} {
  func.func @body(%arg0: i32, %arg1: memref<3x16x52x52x255xf32, #tpu.memory_space<hbm>>, %arg2: memref<528xi32, #tpu.memory_space<hbm>>, %arg3: memref<128x255xf32, #tpu.memory_space<hbm>>, %arg4: memref<528xi32, #tpu.memory_space<smem>>, %arg5: memref<!tpu.dma_semaphore, #tpu.memory_space<semaphore_mem>>) attributes {dimension_semantics = [#tpu.dimension_semantics<core_parallel>], iteration_bounds = array<i64: 2>, scalar_prefetch = 0 : i64, scratch_operands = 2 : i64, tpu.core_type = #tpu.core_type<sc_scalar_subcore>, window_params = [{transform_indices = #map}, {transform_indices = #map1}, {transform_indices = #map2}]} {
    %eq3A = arith.constant 0 : i32
    %eq3A_0 = arith.cmpi eq, %arg0, %eq3A : i32
    %convert_element_type3A = arith.extui %eq3A_0 : i1 to i32
    %cond3A = arith.constant 0 : i32
    %cond3A_1 = arith.cmpi ne, %convert_element_type3A, %cond3A : i32
    scf.if %cond3A_1 {
      "tpu.region"() ({
        %run_scoped3A = tpu.sem_alloc : memref<!tpu.dma_semaphore, #tpu.memory_space<semaphore_mem>>
        tpu.enqueue_dma source(%arg2 : memref<528xi32, #tpu.memory_space<hbm>>) target(%arg4 : memref<528xi32, #tpu.memory_space<smem>>) target_semaphore(%run_scoped3A : memref<!tpu.dma_semaphore, #tpu.memory_space<semaphore_mem>>)
        tpu.wait_dma2 semaphore(%run_scoped3A : memref<!tpu.dma_semaphore, #tpu.memory_space<semaphore_mem>>) src(%arg2 : memref<528xi32, #tpu.memory_space<hbm>>) dst(%arg4 : memref<528xi32, #tpu.memory_space<smem>>)
        tpu.yield
      }) : () -> ()
      %get3A = arith.constant 512 : i32
      %get3A_2 = arith.index_cast %get3A : i32 to index
      %get3A_3 = memref.load %arg4[%get3A_2] : memref<528xi32, #tpu.memory_space<smem>>
      %scan3A = arith.constant 0 : i32
      %scan3A_4 = arith.constant 0 : i32
      %scan3A_5 = arith.constant 64 : i32
      %scan3A_6 = arith.addi %scan3A_4, %scan3A_5 : i32
      %scan3A_7 = arith.constant 1 : i32
      %scan3A_8 = scf.for %scan3A_17 = %scan3A_4 to %scan3A_6 step %scan3A_7 iter_args(%scan3A_18 = %scan3A) -> (i32)  : i32 {
        %get3A_19 = arith.index_cast %scan3A_17 : i32 to index
        %get3A_20 = memref.load %arg4[%get3A_19] : memref<528xi32, #tpu.memory_space<smem>>
        %add3A = arith.constant 64 : i32
        %add3A_21 = arith.addi %add3A, %scan3A_17 : i32
        %get3A_22 = arith.index_cast %add3A_21 : i32 to index
        %get3A_23 = memref.load %arg4[%get3A_22] : memref<528xi32, #tpu.memory_space<smem>>
        %add3A_24 = arith.constant 128 : i32
        %add3A_25 = arith.addi %add3A_24, %scan3A_17 : i32
        %get3A_26 = arith.index_cast %add3A_25 : i32 to index
        %get3A_27 = memref.load %arg4[%get3A_26] : memref<528xi32, #tpu.memory_space<smem>>
        %dma_start3A = arith.constant 0 : i32
        %dma_start3A_28 = tpu.memref_slice %arg3[%scan3A_17, %dma_start3A] : memref<128x255xf32, #tpu.memory_space<hbm>> -> memref<1x255xf32, #tpu.memory_space<hbm>>
        %dma_start3A_29 = tpu.memref_squeeze %dma_start3A_28 : memref<1x255xf32, #tpu.memory_space<hbm>> -> memref<255xf32, #tpu.memory_space<hbm>>
        %dma_start3A_30 = arith.constant 0 : i32
        %dma_start3A_31 = tpu.memref_slice %arg1[%get3A_20, %get3A_3, %get3A_23, %get3A_27, %dma_start3A_30] : memref<3x16x52x52x255xf32, #tpu.memory_space<hbm>> -> memref<1x1x1x1x255xf32, #tpu.memory_space<hbm>>
        %dma_start3A_32 = tpu.memref_squeeze %dma_start3A_31 : memref<1x1x1x1x255xf32, #tpu.memory_space<hbm>> -> memref<255xf32, #tpu.memory_space<hbm>>
        tpu.enqueue_dma source(%dma_start3A_32 : memref<255xf32, #tpu.memory_space<hbm>>) target(%dma_start3A_29 : memref<255xf32, #tpu.memory_space<hbm>>) target_semaphore(%arg5 : memref<!tpu.dma_semaphore, #tpu.memory_space<semaphore_mem>>)
        %add3A_33 = arith.constant 256 : i32
        %add3A_34 = arith.addi %add3A_33, %scan3A_17 : i32
        %get3A_35 = arith.index_cast %add3A_34 : i32 to index
        %get3A_36 = memref.load %arg4[%get3A_35] : memref<528xi32, #tpu.memory_space<smem>>
        %add3A_37 = arith.constant 320 : i32
        %add3A_38 = arith.addi %add3A_37, %scan3A_17 : i32
        %get3A_39 = arith.index_cast %add3A_38 : i32 to index
        %get3A_40 = memref.load %arg4[%get3A_39] : memref<528xi32, #tpu.memory_space<smem>>
        %add3A_41 = arith.constant 384 : i32
        %add3A_42 = arith.addi %add3A_41, %scan3A_17 : i32
        %get3A_43 = arith.index_cast %add3A_42 : i32 to index
        %get3A_44 = memref.load %arg4[%get3A_43] : memref<528xi32, #tpu.memory_space<smem>>
        %add3A_45 = arith.constant 64 : i32
        %add3A_46 = arith.addi %add3A_45, %scan3A_17 : i32
        %dma_start3A_47 = arith.constant 0 : i32
        %dma_start3A_48 = tpu.memref_slice %arg3[%add3A_46, %dma_start3A_47] : memref<128x255xf32, #tpu.memory_space<hbm>> -> memref<1x255xf32, #tpu.memory_space<hbm>>
        %dma_start3A_49 = tpu.memref_squeeze %dma_start3A_48 : memref<1x255xf32, #tpu.memory_space<hbm>> -> memref<255xf32, #tpu.memory_space<hbm>>
        %dma_start3A_50 = arith.constant 0 : i32
        %dma_start3A_51 = tpu.memref_slice %arg1[%get3A_36, %get3A_3, %get3A_40, %get3A_44, %dma_start3A_50] : memref<3x16x52x52x255xf32, #tpu.memory_space<hbm>> -> memref<1x1x1x1x255xf32, #tpu.memory_space<hbm>>
        %dma_start3A_52 = tpu.memref_squeeze %dma_start3A_51 : memref<1x1x1x1x255xf32, #tpu.memory_space<hbm>> -> memref<255xf32, #tpu.memory_space<hbm>>
        tpu.enqueue_dma source(%dma_start3A_52 : memref<255xf32, #tpu.memory_space<hbm>>) target(%dma_start3A_49 : memref<255xf32, #tpu.memory_space<hbm>>) target_semaphore(%arg5 : memref<!tpu.dma_semaphore, #tpu.memory_space<semaphore_mem>>)
        %scan3A_53 = arith.constant 0 : i32
        scf.yield %scan3A_53 : i32
      }
      %scan3A_9 = arith.constant 64 : i32
      %scan3A_10 = arith.constant 0 : i32
      %scan3A_11 = arith.constant 0 : i32
      %scan3A_12 = arith.constant 128 : i32
      %scan3A_13 = arith.addi %scan3A_11, %scan3A_12 : i32
      %scan3A_14 = arith.constant 1 : i32
      %scan3A_15 = scf.for %scan3A_17 = %scan3A_11 to %scan3A_13 step %scan3A_14 iter_args(%scan3A_18 = %scan3A_10) -> (i32)  : i32 {
        %dma_wait3A = arith.constant 0 : i32
        %dma_wait3A_19 = arith.constant 0 : i32
        %dma_wait3A_20 = arith.constant 0 : i32
        %dma_wait3A_21 = arith.constant 0 : i32
        %dma_wait3A_22 = arith.constant 0 : i32
        %dma_wait3A_23 = arith.constant 0 : i32
        %dma_wait3A_24 = tpu.memref_slice %arg3[%dma_wait3A_22, %dma_wait3A_23] : memref<128x255xf32, #tpu.memory_space<hbm>> -> memref<1x255xf32, #tpu.memory_space<hbm>>
        %dma_wait3A_25 = tpu.memref_squeeze %dma_wait3A_24 : memref<1x255xf32, #tpu.memory_space<hbm>> -> memref<255xf32, #tpu.memory_space<hbm>>
        %dma_wait3A_26 = arith.constant 0 : i32
        %dma_wait3A_27 = tpu.memref_slice %arg1[%dma_wait3A, %dma_wait3A_19, %dma_wait3A_20, %dma_wait3A_21, %dma_wait3A_26] : memref<3x16x52x52x255xf32, #tpu.memory_space<hbm>> -> memref<1x1x1x1x255xf32, #tpu.memory_space<hbm>>
        %dma_wait3A_28 = tpu.memref_squeeze %dma_wait3A_27 : memref<1x1x1x1x255xf32, #tpu.memory_space<hbm>> -> memref<255xf32, #tpu.memory_space<hbm>>
        tpu.wait_dma2 semaphore(%arg5 : memref<!tpu.dma_semaphore, #tpu.memory_space<semaphore_mem>>) src(%dma_wait3A_28 : memref<255xf32, #tpu.memory_space<hbm>>) dst(%dma_wait3A_25 : memref<255xf32, #tpu.memory_space<hbm>>)
        %scan3A_29 = arith.constant 0 : i32
        scf.yield %scan3A_29 : i32
      }
      %scan3A_16 = arith.constant 128 : i32
    } else {
    }
    return
  }
}

module attributes {stable_mosaic.version = 14 : i64} {
  func.func @_tc_loss_body(%arg0: memref<128x255xf32, #tpu.memory_space<vmem>>, %arg1: memref<128x1xi32, #tpu.memory_space<vmem>>, %arg2: memref<64x4xf32, #tpu.memory_space<vmem>>, %arg3: memref<1x1xf32, #tpu.memory_space<vmem>>) attributes {dimension_semantics = [], scalar_prefetch = 0 : i64, scratch_operands = 0 : i64, tpu.core_type = #tpu.core_type<tc>} {
    %get3A = arith.constant 0 : index
    %get3A_0 = arith.constant 0 : index
    %get3A_1 = vector.load %arg0[%get3A, %get3A_0] : memref<128x255xf32, #tpu.memory_space<vmem>>, vector<128x255xf32>
    %get3A_2 = arith.constant 0 : index
    %get3A_3 = arith.constant 0 : index
    %get3A_4 = vector.load %arg1[%get3A_2, %get3A_3] : memref<128x1xi32, #tpu.memory_space<vmem>>, vector<128x1xi32>
    %eq3A = arith.constant 0 : i32
    %eq3A_5 = vector.broadcast %eq3A : i32 to vector<128x1xi32>
    %eq3A_6 = arith.cmpi eq, %get3A_4, %eq3A_5 : vector<128x1xi32>
    %slice3A = vector.extract_strided_slice %get3A_1 {offsets = [0, 0], sizes = [128, 85], strides = [1, 1]} : vector<128x255xf32> to vector<128x85xf32>
    %eq3A_7 = arith.constant 1 : i32
    %eq3A_8 = vector.broadcast %eq3A_7 : i32 to vector<128x1xi32>
    %eq3A_9 = arith.cmpi eq, %get3A_4, %eq3A_8 : vector<128x1xi32>
    %slice3A_10 = vector.extract_strided_slice %get3A_1 {offsets = [0, 85], sizes = [128, 85], strides = [1, 1]} : vector<128x255xf32> to vector<128x85xf32>
    %slice3A_11 = vector.extract_strided_slice %get3A_1 {offsets = [0, 170], sizes = [128, 85], strides = [1, 1]} : vector<128x255xf32> to vector<128x85xf32>
    %broadcast_in_dim3A = vector.shape_cast %eq3A_9 : vector<128x1xi1> to vector<128x1xi1>
    %broadcast_in_dim3A_12 = vector.broadcast %broadcast_in_dim3A : vector<128x1xi1> to vector<128x85xi1>
    %select_n3A = arith.select %broadcast_in_dim3A_12, %slice3A_10, %slice3A_11 : vector<128x85xi1>, vector<128x85xf32>
    %broadcast_in_dim3A_13 = vector.shape_cast %eq3A_6 : vector<128x1xi1> to vector<128x1xi1>
    %broadcast_in_dim3A_14 = vector.broadcast %broadcast_in_dim3A_13 : vector<128x1xi1> to vector<128x85xi1>
    %select_n3A_15 = arith.select %broadcast_in_dim3A_14, %slice3A, %select_n3A : vector<128x85xi1>, vector<128x85xf32>
    %slice3A_16 = vector.extract_strided_slice %select_n3A_15 {offsets = [0, 0], sizes = [64, 4], strides = [1, 1]} : vector<128x85xf32> to vector<64x4xf32>
    %slice3A_17 = vector.extract_strided_slice %select_n3A_15 {offsets = [0, 4], sizes = [64, 1], strides = [1, 1]} : vector<128x85xf32> to vector<64x1xf32>
    %slice3A_18 = vector.extract_strided_slice %select_n3A_15 {offsets = [64, 4], sizes = [64, 1], strides = [1, 1]} : vector<128x85xf32> to vector<64x1xf32>
    %get3A_19 = arith.constant 0 : index
    %get3A_20 = arith.constant 0 : index
    %get3A_21 = vector.load %arg2[%get3A_19, %get3A_20] : memref<64x4xf32, #tpu.memory_space<vmem>>, vector<64x4xf32>
    %sub3A = arith.subf %slice3A_16, %get3A_21 : vector<64x4xf32>
    %integer_pow3A = arith.mulf %sub3A, %sub3A : vector<64x4xf32>
    %reduce_sum3A = vector.shape_cast %integer_pow3A : vector<64x4xf32> to vector<1x64x4xf32>
    %reduce_sum3A_22 = arith.constant dense<0.000000e+00> : vector<1xf32>
    %reduce_sum3A_23 = vector.multi_reduction <add>, %reduce_sum3A, %reduce_sum3A_22 [1, 2] : vector<1x64x4xf32> to vector<1xf32>
    %reduce_sum3A_24 = vector.shape_cast %reduce_sum3A_23 : vector<1xf32> to vector<1x1x1xf32>
    %reduce_sum3A_25 = vector.extract %reduce_sum3A_24[0, 0, 0] : f32 from vector<1x1x1xf32>
    %mul3A = arith.constant 5.000000e+00 : f32
    %mul3A_26 = arith.mulf %mul3A, %reduce_sum3A_25 : f32
    %gt3A = arith.constant 0.000000e+00 : f32
    %gt3A_27 = vector.broadcast %gt3A : f32 to vector<64x1xf32>
    %gt3A_28 = arith.cmpf ogt, %slice3A_17, %gt3A_27 : vector<64x1xf32>
    %jit3A = arith.constant 1.000000e+00 : f32
    %broadcast_in_dim3A_29 = vector.broadcast %jit3A : f32 to vector<64x1xf32>
    %select_n3A_30 = arith.select %gt3A_28, %slice3A_17, %broadcast_in_dim3A_29 : vector<64x1xi1>, vector<64x1xf32>
    %gt3A_31 = arith.constant 0.000000e+00 : f32
    %gt3A_32 = vector.broadcast %gt3A_31 : f32 to vector<64x1xf32>
    %gt3A_33 = arith.cmpf ogt, %slice3A_17, %gt3A_32 : vector<64x1xf32>
    %log3A = math.log %select_n3A_30 : vector<64x1xf32>
    %max3A = arith.constant -1.000000e+02 : f32
    %max3A_34 = vector.broadcast %max3A : f32 to vector<64x1xf32>
    %max3A_35 = arith.maximumf %log3A, %max3A_34 : vector<64x1xf32>
    %jit3A_36 = arith.constant -1.000000e+02 : f32
    %broadcast_in_dim3A_37 = vector.broadcast %jit3A_36 : f32 to vector<64x1xf32>
    %select_n3A_38 = arith.select %gt3A_33, %max3A_35, %broadcast_in_dim3A_37 : vector<64x1xi1>, vector<64x1xf32>
    %neg3A = arith.constant 0.000000e+00 : f32
    %neg3A_39 = vector.broadcast %neg3A : f32 to vector<64x1xf32>
    %neg3A_40 = arith.subf %neg3A_39, %select_n3A_38 : vector<64x1xf32>
    %reduce_sum3A_41 = vector.shape_cast %neg3A_40 : vector<64x1xf32> to vector<1x64x1xf32>
    %reduce_sum3A_42 = arith.constant dense<0.000000e+00> : vector<1xf32>
    %reduce_sum3A_43 = vector.multi_reduction <add>, %reduce_sum3A_41, %reduce_sum3A_42 [1, 2] : vector<1x64x1xf32> to vector<1xf32>
    %reduce_sum3A_44 = vector.shape_cast %reduce_sum3A_43 : vector<1xf32> to vector<1x1x1xf32>
    %reduce_sum3A_45 = vector.extract %reduce_sum3A_44[0, 0, 0] : f32 from vector<1x1x1xf32>
    %sub3A_46 = arith.constant 1.000000e+00 : f32
    %sub3A_47 = vector.broadcast %sub3A_46 : f32 to vector<64x1xf32>
    %sub3A_48 = arith.subf %sub3A_47, %slice3A_18 : vector<64x1xf32>
    %gt3A_49 = arith.constant 0.000000e+00 : f32
    %gt3A_50 = vector.broadcast %gt3A_49 : f32 to vector<64x1xf32>
    %gt3A_51 = arith.cmpf ogt, %sub3A_48, %gt3A_50 : vector<64x1xf32>
    %jit3A_52 = arith.constant 1.000000e+00 : f32
    %broadcast_in_dim3A_53 = vector.broadcast %jit3A_52 : f32 to vector<64x1xf32>
    %select_n3A_54 = arith.select %gt3A_51, %sub3A_48, %broadcast_in_dim3A_53 : vector<64x1xi1>, vector<64x1xf32>
    %gt3A_55 = arith.constant 0.000000e+00 : f32
    %gt3A_56 = vector.broadcast %gt3A_55 : f32 to vector<64x1xf32>
    %gt3A_57 = arith.cmpf ogt, %sub3A_48, %gt3A_56 : vector<64x1xf32>
    %log3A_58 = math.log %select_n3A_54 : vector<64x1xf32>
    %max3A_59 = arith.constant -1.000000e+02 : f32
    %max3A_60 = vector.broadcast %max3A_59 : f32 to vector<64x1xf32>
    %max3A_61 = arith.maximumf %log3A_58, %max3A_60 : vector<64x1xf32>
    %jit3A_62 = arith.constant -1.000000e+02 : f32
    %broadcast_in_dim3A_63 = vector.broadcast %jit3A_62 : f32 to vector<64x1xf32>
    %select_n3A_64 = arith.select %gt3A_57, %max3A_61, %broadcast_in_dim3A_63 : vector<64x1xi1>, vector<64x1xf32>
    %neg3A_65 = arith.constant 0.000000e+00 : f32
    %neg3A_66 = vector.broadcast %neg3A_65 : f32 to vector<64x1xf32>
    %neg3A_67 = arith.subf %neg3A_66, %select_n3A_64 : vector<64x1xf32>
    %reduce_sum3A_68 = vector.shape_cast %neg3A_67 : vector<64x1xf32> to vector<1x64x1xf32>
    %reduce_sum3A_69 = arith.constant dense<0.000000e+00> : vector<1xf32>
    %reduce_sum3A_70 = vector.multi_reduction <add>, %reduce_sum3A_68, %reduce_sum3A_69 [1, 2] : vector<1x64x1xf32> to vector<1xf32>
    %reduce_sum3A_71 = vector.shape_cast %reduce_sum3A_70 : vector<1xf32> to vector<1x1x1xf32>
    %reduce_sum3A_72 = vector.extract %reduce_sum3A_71[0, 0, 0] : f32 from vector<1x1x1xf32>
    %mul3A_73 = arith.constant 5.000000e-01 : f32
    %mul3A_74 = arith.mulf %mul3A_73, %reduce_sum3A_72 : f32
    %add3A = arith.addf %mul3A_26, %reduce_sum3A_45 : f32
    %add3A_75 = arith.addf %add3A, %mul3A_74 : f32
    %add3A_76 = arith.constant 6.320000e+03 : f32
    %add3A_77 = arith.addf %add3A_75, %add3A_76 : f32
    %reshape3A = vector.broadcast %add3A_77 : f32 to vector<1x1xf32>
    %swap3A = arith.constant 0 : index
    %swap3A_78 = arith.constant 0 : index
    %swap3A_79 = vector.load %arg3[%swap3A, %swap3A_78] : memref<1x1xf32, #tpu.memory_space<vmem>>, vector<1x1xf32>
    tpu.vector_store %arg3[%swap3A, %swap3A_78], %reshape3A {strides = array<i32>} : memref<1x1xf32, #tpu.memory_space<vmem>>, vector<1x1xf32>,
    return
  }
}

</mosaic_0001>

<sc_bundles>
// kernel: kernel.4.cloned.1.call-start
scs
__scs_entry_jumppad:
0x0: {  	(pc) =	sbr.rel $0x88, $3  }
0x1: {  	(tag) =	ssettag $0x0;
	lr =	simm.s32 $0x1  }
0x2: {  	[smem:$0x3F9C] =	sst lr;
	_ =	strace $0xD0000000  }
0x3: {  	_ = 	snop  }
0x4: {  	_ = 	snop  }
0x5: {  	_ = 	snop  }
0x6: {  	_ = 	snop  }
0x7: {  	_ = 	snop  }
__scs_overlays_trampoline_lowered:
0x8: {  	[smem:$0x3FAB] =	sst s0  }
0x9: {  	[smem:$0x3FAC] =	sst s1  }
0xa: {  	[smem:$0x3FAD] =	sst s2  }
0xb: {  	[smem:$0x3FAE] =	sst s3  }
0xc: {  	[smem:$0x3FAF] =	sst s4  }
0xd: {  	[smem:$0x3FB0] =	sst s5  }
0xe: {  	[smem:$0x3FB1] =	sst s6  }
0xf: {  	[smem:$0x3FB2] =	sst s7  }
0x10: {  	[smem:$0x3FB3] =	sst s8  }
0x11: {  	[smem:$0x3FB4] =	sst s9;
	s0 =	simm.s32 @!p0 $0x0  }
0x12: {  	s1 =	sld [smem:$0x3F9A];
	s0 =	simm.s32 @p0 $0x1  }
0x13: {  	[smem:$0x3FB5] =	sst s0;
	s0 =	simm.s32 @!p1 $0x0  }
0x14: {  	s2 =	sld [smem:$0x3F99];
	s0 =	simm.s32 @p1 $0x1  }
0x15: {  	[smem:$0x3FB6] =	sst s0;
	s0 =	simm.s32 @!p2 $0x0  }
0x16: {  	s3 =	sld [smem:$0x3FDB];
	s0 =	simm.s32 @p2 $0x1  }
0x17: {  	s4 =	simm.s32 $0x1BF5;
	[smem:$0x3FB8] =	sst s0  }
0x18: {  	s0 =	sld [smem:$0x3F9B];
	_ =	swait.ge [sflag:s4], $0x0  }
0x19: {  	s7 =	sld [smem:$0x3F9C]  }
0x1a: {  	s8 =	sadd.s32 $0xFFFFE003, lr  }
0x1b: {  	s9 =	sadd.s32 $0xFFFFFEF7, lr;
	s5 =	simm.s32 $0xFFFFFFFF;
	p2 =	slt.u32 s8, $0xFFFFF086  }
0x1c: {  	p1 =	slt.u32 s9, $0xF7A;
	s5 =	simm.s32 @!p2 $0x0  }
0x1d: {  	s5 =	simm.s32 @p1 $0x1;
	p0 =	seq.s32 s7, s2  }
0x1e: {  	s7 =	smul.u32 @!p0 $0xF7A, s2;
	p2 =	seq.s32 @!p0 s5, $0x0  }
0x1f: {  	s9 =	smul.u32 $0xF7A, s1;
	s8 =	simm.s32 @!p0 $0x1BF5;
	p2 =	por !p2, p0  }
0x20: {  	[sflag:s8] =	ssyncset.s32 @!p0 $0xFFFFF086;
	s6 =	sadd.s32 @!p0 s3, s7;
	s7 =	simm.s32 @!p0 $0x108  }
0x21: {  	s3 =	sadd.s32 s3, s9;
	s6 =	sadd.s32 @!p0 $0x88, s6;
	s7 =	simm.s32 @p2 $0x1082  }
0x22: {  	[simem:s7], [sflag:s8] =	dma.local @!p0 [hbm:s6], $0xF7A  }
0x23: {  	s9 =	sor.u32 $0xD0000000, s2;
	s6 =	simm.s32 $0x108;
	_ =	swait.ge @!p0 [sflag:s8], $0x0  }
0x24: {  	s3 =	sadd.s32 $0x88, s3;
	s6 =	simm.s32 @!p1 $0x1082;
	[sflag:s4] =	ssyncset.s32 $0xFFFFF086  }
0x25: {  	[simem:s6], [sflag:s4] =	dma.local [hbm:s3], $0xF7A  }
0x26: {  	[smem:$0x3F9C] =	sst s1;
	(tag) =	ssettag s2;
	_ =	strace s9  }
0x27: {  	s1 =	sld [smem:$0x3FAC]  }
0x28: {  	s2 =	sld [smem:$0x3FAD]  }
0x29: {  	s4 =	sld [smem:$0x3FAF]  }
0x2a: {  	p0 =	seq.s32 s5, $0x0;
	s5 =	sld [smem:$0x3FB0]  }
0x2b: {  	s6 =	sld [smem:$0x3FB1]  }
0x2c: {  	s7 =	sld [smem:$0x3FB2]  }
0x2d: {  	s3 =	simm.s32 $0x108;
	s8 =	sld [smem:$0x3FB3]  }
0x2e: {  	s3 =	simm.s32 @!p0 $0x1082;
	s9 =	sld [smem:$0x3FB4]  }
0x2f: {  	lr =	sadd.s32 s0, s3;
	s0 =	sld [smem:$0x3FAB]  }
0x30: {  	s3 =	sld [smem:$0x3FAE]  }
0x31: {  	[smem:$0x3FB7] =	sst s10  }
0x32: {  	s10 =	sld [smem:$0x3FB5];
	_ =	sdelay $0x3  }
0x33: {  	p0 =	seq.s32 s10, $0x1;
	s10 =	sld [smem:$0x3FB7];
	_ =	sdelay $0x3  }
0x34: {  	[smem:$0x3FB7] =	sst s10  }
0x35: {  	s10 =	sld [smem:$0x3FB6];
	_ =	sdelay $0x3  }
0x36: {  	p1 =	seq.s32 s10, $0x1;
	s10 =	sld [smem:$0x3FB7];
	_ =	sdelay $0x3  }
0x37: {  	[smem:$0x3FB7] =	sst s10  }
0x38: {  	s10 =	sld [smem:$0x3FB8]  }
0x39: {  	_ = 	snop;
	(pc) =	sbr.ind lr, $3  }
0x3a: {  	_ = 	snop  }
0x3b: {  	_ = 	snop  }
0x3c: {  	p2 =	seq.s32 s10, $0x1;
	s10 =	sld [smem:$0x3FB7]  }
0x3d: {  	_ =	shalt  }
0x3e: {  	_ =	shalt  }
0x3f: {  	_ =	shalt  }
0x40: {  	_ =	shalt  }
0x41: {  	_ =	shalt  }
0x42: {  	_ =	shalt  }
0x43: {  	_ =	shalt  }
0x44: {  	_ =	shalt  }
0x45: {  	_ =	shalt  }
0x46: {  	_ =	shalt  }
0x47: {  	_ =	shalt  }
0x48: {  	_ =	shalt  }
0x49: {  	_ =	shalt  }
0x4a: {  	_ =	shalt  }
0x4b: {  	_ =	shalt  }
0x4c: {  	_ =	shalt  }
0x4d: {  	_ =	shalt  }
0x4e: {  	_ =	shalt  }
0x4f: {  	_ =	shalt  }
0x50: {  	_ =	shalt  }
0x51: {  	_ =	shalt  }
0x52: {  	_ =	shalt  }
0x53: {  	_ =	shalt  }
0x54: {  	_ =	shalt  }
0x55: {  	_ =	shalt  }
0x56: {  	_ =	shalt  }
0x57: {  	_ =	shalt  }
0x58: {  	_ =	shalt  }
0x59: {  	_ =	shalt  }
0x5a: {  	_ =	shalt  }
0x5b: {  	_ =	shalt  }
0x5c: {  	_ =	shalt  }
0x5d: {  	_ =	shalt  }
0x5e: {  	_ =	shalt  }
0x5f: {  	_ =	shalt  }
0x60: {  	_ =	shalt  }
0x61: {  	_ =	shalt  }
0x62: {  	_ =	shalt  }
0x63: {  	_ =	shalt  }
0x64: {  	_ =	shalt  }
0x65: {  	_ =	shalt  }
0x66: {  	_ =	shalt  }
0x67: {  	_ =	shalt  }
0x68: {  	_ =	shalt  }
0x69: {  	_ =	shalt  }
0x6a: {  	_ =	shalt  }
0x6b: {  	_ =	shalt  }
0x6c: {  	_ =	shalt  }
0x6d: {  	_ =	shalt  }
0x6e: {  	_ =	shalt  }
0x6f: {  	_ =	shalt  }
0x70: {  	_ =	shalt  }
0x71: {  	_ =	shalt  }
0x72: {  	_ =	shalt  }
0x73: {  	_ =	shalt  }
0x74: {  	_ =	shalt  }
0x75: {  	_ =	shalt  }
0x76: {  	_ =	shalt  }
0x77: {  	_ =	shalt  }
0x78: {  	_ =	shalt  }
0x79: {  	_ =	shalt  }
0x7a: {  	_ =	shalt  }
0x7b: {  	_ =	shalt  }
0x7c: {  	_ =	shalt  }
0x7d: {  	_ =	shalt  }
0x7e: {  	_ =	shalt  }
0x7f: {  	_ =	shalt  }
0x80: {  	_ =	shalt  }
0x81: {  	_ =	shalt  }
0x82: {  	_ =	shalt  }
0x83: {  	_ =	shalt  }
0x84: {  	_ =	shalt  }
0x85: {  	_ =	shalt  }
0x86: {  	_ =	shalt  }
0x87: {  	_ =	shalt  }
.Lfunc_end0:
.L_simem_size_0:
called_computation_lowered:
.L_overlay_start_0:
0x88: {  	s2 =	sld [smem:$0x3FD9]  }
0x89: {  	s3 =	sld [smem:$0x3FFE];
	_ =	sdelay $0x1  }
0x8a: {  	s1 =	srdreg.scid  }
0x8b: {  	s0 =	sand.u32 $0x1, s1  }
0x8c: {  	s28 =	sshll.u32 s0, $0xA;
	s2 =	sadd.s32 s3, s2  }
0x8d: {  	s2 =	sadd.s32 s2, s28  }
0x8e: {  	s7 =	simm.s32 $0x0;
	[smem:$0x3FC3] =	sst s2  }
0x8f: {  	[smem:$0xF] =	sst s7  }
0x90: {  	(tm) =	ssettm $0x1  }
0x91: {  	s29 =	sld [smem:$0x3FFB];
	_ =	sdelay $0x3  }
0x92: {  	_ =	strace s29  }
0x93: {  	s2 =	sld [smem:$0x3FFC];
	_ =	sdelay $0x3  }
0x94: {  	_ =	strace s2  }
0x95: {  	s2 =	sld [smem:$0x3FFD];
	_ =	sdelay $0x3  }
0x96: {  	_ =	strace s2  }
0x97: {  	s30 =	simm.s32 $0x1B8B;
	_ =	strace $0x8FFFFFFF  }
0x98: {  	p0 =	seq.s32 s0, $0x1;
	_ =	swait.ge [sflag:s30], $0x1  }
.Ltmp0:
0x99: {  	[sflag:s30] =	ssyncset.done $0x0;
	(pc) =	sbr.rel @p0 .LBB1_6-.Ltmp0, $3  }
0x9a: {  	s31 =	simm.s32 $0x1B8E;
	[sflag:s30] =	ssyncadd.s32 $0xFFFFFFFF  }
0x9b: {  	[smem:$0x3FD2] =	sst s31  }
0x9c: {  	s4 =	sld [smem:$0x3FFE];
	_ =	strace $0x80000046  }
0x9d: {  	_ =	sdelay $0x2  }
0x9e: {  	s3 =	simm.s32 $0xA;
	s5 =	simm.s32 $0x10;
	s2 =	sadd.s32 $0x444A00, s4  }
0x9f: {  	[smem:s5], [sflag:s3] =	dma.local [hbm:s2], $0x50  }
0xa0: {  	_ =	swait.ge [sflag:s3], $0x50  }
0xa1: {  	[sflag:s3] =	ssyncset.done $0x0  }
0xa2: {  	[sflag:s3] =	ssyncadd.s32 $0xFFFFFFB0  }
0xa3: {  	s21 =	sld [smem:$0x210]  }
0xa4: {  	s3 =	sld [smem:$0x10]  }
0xa5: {  	s22 =	sld [smem:$0x50]  }
0xa6: {  	s6 =	sld [smem:$0x90]  }
0xa7: {  	s2 =	smul.u32 $0xB6000, s21  }
0xa8: {  	s8 =	smul.u32 $0xB60000, s3  }
0xa9: {  	s10 =	sand.u32 $0x70, s7;
	s5 =	smul.u32 $0x3800, s22  }
0xaa: {  	s3 =	sadd.s32 $0xA00, s4;
	s8 =	sadd.s32 s2, s8;
	s9 =	sshll.u32 s6, $0x8  }
0xab: {  	s6 =	sshll.u32 s6, $0x7;
	s8 =	sadd.s32 s5, s8;
	s9 =	sand.u32 $0xFFFFF800, s9  }
0xac: {  	s4 =	sadd.s32 $0x444C00, s4;
	s23 =	sand.u32 $0x380, s6;
	s8 =	sadd.s32 s9, s8  }
0xad: {  	s24 =	sand.u32 $0x700, s7;
	s10 =	sadd.s32 s4, s10;
	s8 =	sor.u32 s23, s8  }
0xae: {  	s7 =	simm.s32 $0x80;
	s25 =	sadd.s32 s24, s10;
	s8 =	sshrl.u32 s8, $0x3  }
0xaf: {  	s5 =	simm.s32 $0x1;
	s6 =	simm.s32 $0x9;
	s8 =	sadd.s32 s3, s8  }
0xb0: {  	[hbm:s25@s7], [sflag:s6] =	dma.strided [hbm:s8@s7], $0x20, s5, $0x10   }
0xb1: {  	s8 =	sld [smem:$0x110]  }
0xb2: {  	s26 =	sld [smem:$0x150]  }
0xb3: {  	s11 =	sld [smem:$0x190];
	_ =	sdelay $0x1  }
0xb4: {  	s8 =	smul.u32 $0xB60000, s8  }
0xb5: {  	s9 =	smul.u32 $0x3800, s26  }
0xb6: {  	s8 =	sadd.s32 s2, s8;
	s12 =	sshll.u32 s11, $0x8  }
0xb7: {  	s11 =	sshll.u32 s11, $0x7;
	s8 =	sadd.s32 s9, s8;
	s28 =	sand.u32 $0xFFFFF800, s12  }
0xb8: {  	s29 =	simm.s32 $0x800;
	s11 =	sand.u32 $0x380, s11;
	s9 =	sadd.s32 s28, s8  }
0xb9: {  	s30 =	sand.u32 $0xF00, s29;
	s9 =	sor.u32 s11, s9  }
0xba: {  	s8 =	simm.s32 $0x20;
	s11 =	sadd.s32 s30, s10;
	s31 =	sshrl.u32 s9, $0x3  }
0xbb: {  	s10 =	simm.s32 $0x10;
	s9 =	simm.s32 $0x111;
	s12 =	sadd.s32 s3, s31  }
.LBB1_2:
0xbc: {  	[hbm:s11@s7], [sflag:s6] =	dma.strided [hbm:s12@s7], $0x20, s5, $0x10   }
0xbd: {  	s11 =	smov.u32 s8  }
0xbe: {  	p0 =	sne.s32 s8, $0x7E0;
	s8 =	sadd.s32 $0x20, s8;
	s12 =	sld [smem:s9+$0xFFFFFF00]  }
0xbf: {  	s13 =	sld [smem:s9+$0xFFFFFF40]  }
0xc0: {  	s14 =	sld [smem:s9+$0xFFFFFF80];
	_ =	sdelay $0x1  }
0xc1: {  	s12 =	smul.u32 $0xB60000, s12  }
0xc2: {  	s13 =	smul.u32 $0x3800, s13  }
0xc3: {  	s12 =	sadd.s32 s2, s12;
	s15 =	sshll.u32 s14, $0x8;
	s14 =	sshll.u32 s14, $0x7  }
0xc4: {  	s12 =	sadd.s32 s13, s12;
	s13 =	sand.u32 $0xFFFFF800, s15  }
0xc5: {  	s12 =	sadd.s32 s13, s12;
	s13 =	sand.u32 $0x380, s14  }
0xc6: {  	s14 =	sand.u32 $0x70, s10;
	s12 =	sor.u32 s13, s12  }
0xc7: {  	s13 =	sand.u32 $0x700, s11;
	s14 =	sadd.s32 s4, s14;
	s12 =	sshrl.u32 s12, $0x3  }
0xc8: {  	s13 =	sadd.s32 s13, s14;
	s12 =	sadd.s32 s3, s12  }
0xc9: {  	[hbm:s13@s7], [sflag:s6] =	dma.strided [hbm:s12@s7], $0x20, s5, $0x10   }
0xca: {  	s12 =	sld [smem:s9+$0x0]  }
0xcb: {  	s13 =	sld [smem:s9+$0x40]  }
0xcc: {  	s15 =	sld [smem:s9+$0x80];
	_ =	sdelay $0x1  }
0xcd: {  	s12 =	smul.u32 $0xB60000, s12  }
0xce: {  	s13 =	smul.u32 $0x3800, s13  }
0xcf: {  	s12 =	sadd.s32 s2, s12;
	s16 =	sshll.u32 s15, $0x8;
	s15 =	sshll.u32 s15, $0x7  }
0xd0: {  	s12 =	sadd.s32 s13, s12;
	s13 =	sand.u32 $0xFFFFF800, s16  }
.Ltmp1:
0xd1: {  	s12 =	sadd.s32 s13, s12;
	s13 =	sand.u32 $0x380, s15;
	(pc) =	sbr.rel @p0 .LBB1_2-.Ltmp1, $3  }
0xd2: {  	s11 =	sadd.s32 $0x800, s11;
	s12 =	sor.u32 s13, s12  }
0xd3: {  	s11 =	sand.u32 $0xF00, s11;
	s9 =	sadd.s32 $0x1, s9;
	s12 =	sshrl.u32 s12, $0x3  }
0xd4: {  	s10 =	sadd.s32 $0x10, s10;
	s11 =	sadd.s32 s11, s14;
	s12 =	sadd.s32 s3, s12  }
0xd5: {  	[hbm:s11@s7], [sflag:s6] =	dma.strided [hbm:s12@s7], $0x20, s5, $0x10   }
0xd6: {  	s2 =	simm.s32 $0x9  }
0xd7: {  	_ =	swait.ge [sflag:s2], $0x20  }
0xd8: {  	s3 =	simm.s32 $0x7F;
	[sflag:s2] =	ssyncset.done $0x0  }
.LBB1_4:
0xd9: {  	p0 =	sne.s32 s3, $0x1;
	s3 =	sadd.s32 $0xFFFFFFFF, s3;
	[sflag:s2] =	ssyncadd.s32 $0xFFFFFFE0  }
.Ltmp2:
0xda: {  	(pc) =	sbr.rel @p0 .LBB1_4-.Ltmp2, $3  }
0xdb: {  	_ = 	snop  }
0xdc: {  	_ =	swait.ge [sflag:s2], $0x20  }
0xdd: {  	[sflag:s2] =	ssyncset.done $0x0  }
0xde: {  	[sflag:s2] =	ssyncadd.s32 $0xFFFFFFE0  }
.LBB1_6:
0xdf: {  	_ =	strace $0x90000046  }
0xe0: {  	_ =	sfence  }
0xe1: {  	s2 =	sld [smem:$0x0];
	_ =	sdelay $0x2  }
0xe2: {  	s3 =	sshll.u32 s1, $0xD;
	s31 =	sshrl.u32 s1, $0x2  }
0xe3: {  	s3 =	sand.u32 $0x4000, s3;
	s1 =	sadd.s32 s31, s2  }
0xe4: {  	s0 =	sor.u32 s3, s0;
	s1 =	sshll.u32 s1, $0x11  }
0xe5: {  	s0 =	sor.u32 s1, s0  }
0xe6: {  	s0 =	sadd.s32 $0x8F2B, s0;
	(pc) =	sbr.abs _section_cstart, $3  }
0xe7: {  	[sflag:s0] =	ssyncadd.remote.s32 $0x1  }
0xe8: {  	_ =	strace $0x9FFFFFFF  }
0xe9: {  	(tm) =	ssettm $0x7FFFFFFF  }

</sc_bundles>
